<compile_context>
chip_gen: v7x
topology: tpu7x:2x2x1
jax: 0.10.2.dev20260603
libtpu: 0.0.44.dev20260713+nightly
codegen_flags: <defaults>
</compile_context>

<pallas_src>
import functools

import jax
import jax.numpy as jnp
from jax import lax
from jax.experimental import pallas as pl
from jax.experimental.pallas import tpu as pltpu
from jax.experimental.pallas import tpu_sc as plsc

N_ATOMS = 100000
N_IN = 128
N_HIDDEN = 64
N_MOL = 1024

LANES = 16
NWORKERS = 32
BLK = 20480
GRID = 5
N_PAD = GRID * BLK
CHUNK = N_PAD // NWORKERS
TAIL = N_ATOMS - (NWORKERS - 1) * CHUNK
CROWS = CHUNK // 128
ROWS = BLK // 128


def _mlp_body(x_ref, w1t_ref, b1_ref, w2_ref, b2_ref, y_ref):
    i = pl.program_id(0)
    h = lax.dot_general(
        x_ref[...], w1t_ref[...], (((1,), (1,)), ((), ())),
        preferred_element_type=jnp.float32,
    )
    h = h + b1_ref[...]
    h = h * jax.nn.sigmoid(h)
    y = jnp.dot(h, w2_ref[...], preferred_element_type=jnp.float32) + b2_ref[...]
    yw = y.reshape(ROWS, 128)
    rows = (
        i * BLK
        + lax.broadcasted_iota(jnp.int32, (ROWS, 128), 0) * 128
        + lax.broadcasted_iota(jnp.int32, (ROWS, 128), 1)
    )
    y_ref[...] = jnp.where(rows < N_ATOMS, yw, 0.0)


def _mlp(x, W1, b1, W2, b2):
    return pl.pallas_call(
        _mlp_body,
        grid=(GRID,),
        in_specs=[
            pl.BlockSpec((BLK, N_IN), lambda i: (i, 0)),
            pl.BlockSpec((N_HIDDEN, N_IN), lambda i: (0, 0)),
            pl.BlockSpec((1, N_HIDDEN), lambda i: (0, 0)),
            pl.BlockSpec((N_HIDDEN, 1), lambda i: (0, 0)),
            pl.BlockSpec((1, 1), lambda i: (0, 0)),
        ],
        out_specs=pl.BlockSpec((ROWS, 128), lambda i: (i, 0)),
        out_shape=jax.ShapeDtypeStruct((N_PAD // 128, 128), jnp.float32),
    )(x, W1.T, b1.reshape(1, N_HIDDEN), W2, b2.reshape(1, 1))


def _sc_segment_sum(y_wide, idx_pad):
    mesh = plsc.VectorSubcoreMesh(core_axis_name="c", subcore_axis_name="s")

    @functools.partial(
        pl.kernel,
        mesh=mesh,
        out_type=jax.ShapeDtypeStruct((NWORKERS, N_MOL), jnp.float32),
        scratch_types=[
            pltpu.VMEM((CROWS + 7, 128), jnp.float32),
            pltpu.VMEM((CHUNK,), jnp.int32),
            pltpu.VMEM((N_MOL,), jnp.float32),
            pltpu.SemaphoreType.DMA,
            pltpu.SemaphoreType.DMA,
        ],
        compiler_params=pltpu.CompilerParams(needs_layout_passes=False),
    )
    def body(y_hbm, idx_hbm, out_hbm, y_v, idx_v, acc_v, sem_y, sem_i):
        wid = lax.axis_index("s") * 2 + lax.axis_index("c")
        row0 = wid * CROWS
        base8 = (row0 // 8) * 8
        delta = row0 - base8
        cp_y = pltpu.async_copy(y_hbm.at[pl.ds(base8, CROWS + 7)], y_v, sem_y)

        zero_i = jnp.zeros((LANES,), jnp.int32)

        @pl.when(wid < NWORKERS - 1)
        def _():
            pltpu.async_copy(
                idx_hbm.at[pl.ds(wid * CHUNK, CHUNK)], idx_v, sem_i
            ).wait()

        @pl.when(wid == NWORKERS - 1)
        def _():
            cp_i = pltpu.async_copy(
                idx_hbm.at[pl.ds((NWORKERS - 1) * CHUNK, TAIL)],
                idx_v.at[pl.ds(0, TAIL)],
                sem_i,
            )

            def zpad_body(k, _):
                idx_v[pl.ds(TAIL + k * LANES, LANES)] = zero_i
                return 0

            lax.fori_loop(0, (CHUNK - TAIL) // LANES, zpad_body, 0)
            cp_i.wait()

        zero = jnp.zeros((LANES,), jnp.float32)

        @plsc.parallel_loop(0, N_MOL // LANES, 1, unroll=8)
        def zero_body(k):
            acc_v[pl.ds(k * LANES, LANES)] = zero

        cp_y.wait()

        @plsc.parallel_loop(0, CROWS, 1, unroll=4)
        def row_body(r):
            for c in range(128 // LANES):
                idx = idx_v[pl.ds(r * 128 + c * LANES, LANES)]
                val = y_v[delta + r, pl.ds(c * LANES, LANES)]
                plsc.addupdate_scatter(acc_v, [idx], val)

        pltpu.sync_copy(acc_v, out_hbm.at[wid])

    return body(y_wide, idx_pad)


def _combine_body(p_ref, o_ref):
    o_ref[...] = jnp.sum(p_ref[...], axis=0, keepdims=True)


def _combine(partials):
    return pl.pallas_call(
        _combine_body,
        out_shape=jax.ShapeDtypeStruct((1, N_MOL), jnp.float32),
    )(partials)


def kernel(scalar_representation, idx_m, W1, b1, W2, b2):
    y_wide = _mlp(scalar_representation, W1, b1, W2, b2)
    partials = _sc_segment_sum(y_wide, idx_m.astype(jnp.int32))
    out = _combine(partials)
    return out.reshape(N_MOL)

# --- scband reference (transcript-rebuilt; emitter-appended) ---
"""Pipeline reference for scband-atomwise-16501264351422 (READ-ONLY COPY).

The authoritative reference and input builder live on the scoring server;
editing this copy changes nothing except your own understanding.
"""

import jax, jax.numpy as jnp
import numpy as np

N_ATOMS = 100000
N_IN = 128
N_HIDDEN = 64  # pyramidal: n_in // 2 for n_layers=2
N_OUT = 1
N_MOL = 1024


def setup_inputs(seed: int = 0) -> dict:
    key = jax.random.key(seed)
    k1, k2, k3, k4, k5, k6 = jax.random.split(key, 6)
    x = jax.random.normal(k1, (N_ATOMS, N_IN), dtype=jnp.float32)
    idx_m = jnp.sort(jax.random.randint(k2, (N_ATOMS,), 0, N_MOL, dtype=jnp.int64))
    # MLP params (schnetpack build_mlp: Dense(128->64, silu), Dense(64->1))
    W1 = jax.random.normal(k3, (N_IN, N_HIDDEN), dtype=jnp.float32) / np.sqrt(N_IN)
    b1 = jnp.zeros((N_HIDDEN,), dtype=jnp.float32)
    W2 = jax.random.normal(k4, (N_HIDDEN, N_OUT), dtype=jnp.float32) / np.sqrt(N_HIDDEN)
    b2 = jnp.zeros((N_OUT,), dtype=jnp.float32)
    return {"scalar_representation": x, "idx_m": idx_m, "W1": W1, "b1": b1, "W2": W2, "b2": b2}


def reference(scalar_representation, idx_m, W1, b1, W2, b2):
    # outnet: pyramidal 2-layer MLP with SiLU
    h = jax.nn.silu(scalar_representation @ W1 + b1)
    y = h @ W2 + b2  # [N_atoms, 1]
    # aggregation_mode == 'sum': scatter_add per molecule
    maxm = N_MOL
    y = jax.ops.segment_sum(y, idx_m, num_segments=maxm)  # [maxm, 1]
    y = jnp.squeeze(y, -1)  # [maxm]
    return y

if __name__ == "__main__":
    import jax
    _d = setup_inputs()
    print(jax.jit(kernel)(*tuple(_d.values())))

</pallas_src>

<mosaic_0001>
#map = affine_map<(d0, d1) -> (0, 0)>
#map1 = affine_map<(d0, d1) -> (0)>
module attributes {stable_mosaic.version = 14 : i64} {
  func.func @body(%arg0: i32, %arg1: i32, %arg2: memref<800x128xf32, #tpu.memory_space<hbm>>, %arg3: memref<100000xi32, #tpu.memory_space<hbm>>, %arg4: memref<32x1024xf32, #tpu.memory_space<hbm>>, %arg5: memref<32x128xf32, #tpu.memory_space<vmem>>, %arg6: memref<3200xi32, #tpu.memory_space<vmem>>, %arg7: memref<1024xf32, #tpu.memory_space<vmem>>, %arg8: memref<!tpu.dma_semaphore, #tpu.memory_space<semaphore_mem>>, %arg9: memref<!tpu.dma_semaphore, #tpu.memory_space<semaphore_mem>>) attributes {dimension_semantics = [#tpu.dimension_semantics<core_parallel>, #tpu.dimension_semantics<subcore_parallel>], iteration_bounds = array<i64: 2, 16>, scalar_prefetch = 0 : i64, scratch_operands = 5 : i64, tpu.core_type = #tpu.core_type<sc_vector_subcore>, window_params = [{transform_indices = #map}, {transform_indices = #map1}, {transform_indices = #map}]} {
    %mul3A = arith.constant 2 : i32
    %mul3A_0 = arith.muli %arg1, %mul3A : i32
    %add3A = arith.addi %mul3A_0, %arg0 : i32
    %mul3A_1 = arith.constant 25 : i32
    %mul3A_2 = arith.muli %add3A, %mul3A_1 : i32
    %jit3A = arith.constant 8 : i32
    %div3A = arith.divsi %mul3A_2, %jit3A : i32
    %sign3A = arith.constant 0 : i32
    %sign3A_3 = arith.cmpi sgt, %mul3A_2, %sign3A : i32
    %sign3A_4 = arith.extui %sign3A_3 : i1 to i32
    %sign3A_5 = arith.constant 0 : i32
    %sign3A_6 = arith.cmpi slt, %mul3A_2, %sign3A_5 : i32
    %sign3A_7 = arith.extui %sign3A_6 : i1 to i32
    %sign3A_8 = arith.subi %sign3A_4, %sign3A_7 : i32
    %sign3A_9 = arith.constant 0 : i32
    %sign3A_10 = arith.cmpi sgt, %jit3A, %sign3A_9 : i32
    %sign3A_11 = arith.extui %sign3A_10 : i1 to i32
    %sign3A_12 = arith.constant 0 : i32
    %sign3A_13 = arith.cmpi slt, %jit3A, %sign3A_12 : i32
    %sign3A_14 = arith.extui %sign3A_13 : i1 to i32
    %sign3A_15 = arith.subi %sign3A_11, %sign3A_14 : i32
    %ne3A = arith.cmpi ne, %sign3A_8, %sign3A_15 : i32
    %rem3A = arith.remsi %mul3A_2, %jit3A : i32
    %ne3A_16 = arith.constant 0 : i32
    %ne3A_17 = arith.cmpi ne, %rem3A, %ne3A_16 : i32
    %and3A = arith.andi %ne3A, %ne3A_17 : i1
    %sub3A = arith.constant 1 : i32
    %sub3A_18 = arith.subi %div3A, %sub3A : i32
    %select_n3A = arith.select %and3A, %sub3A_18, %div3A : i32
    %mul3A_19 = arith.constant 8 : i32
    %mul3A_20 = arith.muli %select_n3A, %mul3A_19 : i32
    %sub3A_21 = arith.subi %mul3A_2, %mul3A_20 : i32
    %dma_start3A = arith.constant 0 : i32
    %dma_start3A_22 = tpu.memref_slice %arg2[%mul3A_20, %dma_start3A] : memref<800x128xf32, #tpu.memory_space<hbm>> -> memref<32x128xf32, #tpu.memory_space<hbm>>
    %dma_start3A_23 = arith.constant 0 : i32
    %dma_start3A_24 = tpu.memref_slice %arg2[%mul3A_20, %dma_start3A_23] : memref<800x128xf32, #tpu.memory_space<hbm>> -> memref<32x128xf32, #tpu.memory_space<hbm>>
    tpu.enqueue_dma source(%dma_start3A_24 : memref<32x128xf32, #tpu.memory_space<hbm>>) target(%arg5 : memref<32x128xf32, #tpu.memory_space<vmem>>) target_semaphore(%arg8 : memref<!tpu.dma_semaphore, #tpu.memory_space<semaphore_mem>>)
    %broadcast_in_dim3A = arith.constant 0 : i32
    %broadcast_in_dim3A_25 = vector.broadcast %broadcast_in_dim3A : i32 to vector<16xi32>
    %lt3A = arith.constant 31 : i32
    %lt3A_26 = arith.cmpi slt, %add3A, %lt3A : i32
    %convert_element_type3A = arith.extui %lt3A_26 : i1 to i32
    %cond3A = arith.constant 0 : i32
    %cond3A_27 = arith.cmpi ne, %convert_element_type3A, %cond3A : i32
    scf.if %cond3A_27 {
      %mul3A_42 = arith.constant 3200 : i32
      %mul3A_43 = arith.muli %add3A, %mul3A_42 : i32
      %dma_start3A_44 = tpu.memref_slice %arg3[%mul3A_43] : memref<100000xi32, #tpu.memory_space<hbm>> -> memref<3200xi32, #tpu.memory_space<hbm>>
      %dma_start3A_45 = tpu.memref_slice %arg3[%mul3A_43] : memref<100000xi32, #tpu.memory_space<hbm>> -> memref<3200xi32, #tpu.memory_space<hbm>>
      tpu.enqueue_dma source(%dma_start3A_45 : memref<3200xi32, #tpu.memory_space<hbm>>) target(%arg6 : memref<3200xi32, #tpu.memory_space<vmem>>) target_semaphore(%arg9 : memref<!tpu.dma_semaphore, #tpu.memory_space<semaphore_mem>>)
      %dma_wait3A_46 = tpu.memref_slice %arg3[%mul3A_43] : memref<100000xi32, #tpu.memory_space<hbm>> -> memref<3200xi32, #tpu.memory_space<hbm>>
      %dma_wait3A_47 = tpu.memref_slice %arg3[%mul3A_43] : memref<100000xi32, #tpu.memory_space<hbm>> -> memref<3200xi32, #tpu.memory_space<hbm>>
      tpu.wait_dma2 semaphore(%arg9 : memref<!tpu.dma_semaphore, #tpu.memory_space<semaphore_mem>>) src(%dma_wait3A_47 : memref<3200xi32, #tpu.memory_space<hbm>>) dst(%arg6 : memref<3200xi32, #tpu.memory_space<vmem>>)
    } else {
    }
    %eq3A = arith.constant 31 : i32
    %eq3A_28 = arith.cmpi eq, %add3A, %eq3A : i32
    %convert_element_type3A_29 = arith.extui %eq3A_28 : i1 to i32
    %cond3A_30 = arith.constant 0 : i32
    %cond3A_31 = arith.cmpi ne, %convert_element_type3A_29, %cond3A_30 : i32
    scf.if %cond3A_31 {
      %dma_start3A_42 = arith.constant 0 : i32
      %dma_start3A_43 = tpu.memref_slice %arg6[%dma_start3A_42] : memref<3200xi32, #tpu.memory_space<vmem>> -> memref<800xi32, #tpu.memory_space<vmem>>
      %dma_start3A_44 = arith.constant 99200 : i32
      %dma_start3A_45 = tpu.memref_slice %arg3[%dma_start3A_44] : memref<100000xi32, #tpu.memory_space<hbm>> -> memref<800xi32, #tpu.memory_space<hbm>>
      %dma_start3A_46 = arith.constant 0 : i32
      %dma_start3A_47 = tpu.memref_slice %arg6[%dma_start3A_46] : memref<3200xi32, #tpu.memory_space<vmem>> -> memref<800xi32, #tpu.memory_space<vmem>>
      %dma_start3A_48 = arith.constant 99200 : i32
      %dma_start3A_49 = tpu.memref_slice %arg3[%dma_start3A_48] : memref<100000xi32, #tpu.memory_space<hbm>> -> memref<800xi32, #tpu.memory_space<hbm>>
      tpu.enqueue_dma source(%dma_start3A_49 : memref<800xi32, #tpu.memory_space<hbm>>) target(%dma_start3A_47 : memref<800xi32, #tpu.memory_space<vmem>>) target_semaphore(%arg9 : memref<!tpu.dma_semaphore, #tpu.memory_space<semaphore_mem>>)
      %scan3A = arith.constant 0 : i32
      %scan3A_50 = arith.constant 0 : i32
      %scan3A_51 = arith.constant 150 : i32
      %scan3A_52 = arith.addi %scan3A_50, %scan3A_51 : i32
      %scan3A_53 = arith.constant 1 : i32
      %scan3A_54 = scf.for %scan3A_64 = %scan3A_50 to %scan3A_52 step %scan3A_53 iter_args(%scan3A_65 = %scan3A) -> (i32)  : i32 {
        %mul3A_66 = arith.constant 16 : i32
        %mul3A_67 = arith.muli %scan3A_64, %mul3A_66 : i32
        %add3A_68 = arith.constant 800 : i32
        %add3A_69 = arith.addi %add3A_68, %mul3A_67 : i32
        %swap3A = arith.index_cast %add3A_69 : i32 to index
        %swap3A_70 = tpu.vector_load %arg6[%swap3A] {strides = array<i32>} : memref<3200xi32, #tpu.memory_space<vmem>>, vector<16xi32>,
        tpu.vector_store %arg6[%swap3A], %broadcast_in_dim3A_25 {strides = array<i32>} : memref<3200xi32, #tpu.memory_space<vmem>>, vector<16xi32>,
        %scan3A_71 = arith.constant 0 : i32
        scf.yield %scan3A_71 : i32
      }
      %scan3A_55 = arith.constant 150 : i32
      %dma_wait3A_56 = arith.constant 0 : i32
      %dma_wait3A_57 = tpu.memref_slice %arg6[%dma_wait3A_56] : memref<3200xi32, #tpu.memory_space<vmem>> -> memref<800xi32, #tpu.memory_space<vmem>>
      %dma_wait3A_58 = arith.constant 99200 : i32
      %dma_wait3A_59 = tpu.memref_slice %arg3[%dma_wait3A_58] : memref<100000xi32, #tpu.memory_space<hbm>> -> memref<800xi32, #tpu.memory_space<hbm>>
      %dma_wait3A_60 = arith.constant 0 : i32
      %dma_wait3A_61 = tpu.memref_slice %arg6[%dma_wait3A_60] : memref<3200xi32, #tpu.memory_space<vmem>> -> memref<800xi32, #tpu.memory_space<vmem>>
      %dma_wait3A_62 = arith.constant 99200 : i32
      %dma_wait3A_63 = tpu.memref_slice %arg3[%dma_wait3A_62] : memref<100000xi32, #tpu.memory_space<hbm>> -> memref<800xi32, #tpu.memory_space<hbm>>
      tpu.wait_dma2 semaphore(%arg9 : memref<!tpu.dma_semaphore, #tpu.memory_space<semaphore_mem>>) src(%dma_wait3A_63 : memref<800xi32, #tpu.memory_space<hbm>>) dst(%dma_wait3A_61 : memref<800xi32, #tpu.memory_space<vmem>>)
    } else {
    }
    %broadcast_in_dim3A_32 = arith.constant 0.000000e+00 : f32
    %broadcast_in_dim3A_33 = vector.broadcast %broadcast_in_dim3A_32 : f32 to vector<16xf32>
    %parallel_loop3A = arith.constant 0 : i32
    %parallel_loop3A_34 = arith.constant 64 : i32
    %parallel_loop3A_35 = arith.constant 1 : i32
    scf.for %parallel_loop3A_42 = %parallel_loop3A to %parallel_loop3A_34 step %parallel_loop3A_35  : i32 {
      %parallel_loop3A_43 = arith.constant 16 : i32
      %parallel_loop3A_44 = arith.muli %parallel_loop3A_42, %parallel_loop3A_43 : i32
      %parallel_loop3A_45 = arith.index_cast %parallel_loop3A_44 : i32 to index
      %parallel_loop3A_46 = tpu.vector_load %arg7[%parallel_loop3A_45] {strides = array<i32>} : memref<1024xf32, #tpu.memory_space<vmem>>, vector<16xf32>,
      tpu.vector_store %arg7[%parallel_loop3A_45], %broadcast_in_dim3A_33 {strides = array<i32>} : memref<1024xf32, #tpu.memory_space<vmem>>, vector<16xf32>,
    } {sc.loop_unroll_factor = 8 : i64, sc.parallel_access}
    %dma_wait3A = arith.constant 0 : i32
    %dma_wait3A_36 = tpu.memref_slice %arg2[%mul3A_20, %dma_wait3A] : memref<800x128xf32, #tpu.memory_space<hbm>> -> memref<32x128xf32, #tpu.memory_space<hbm>>
    %dma_wait3A_37 = arith.constant 0 : i32
    %dma_wait3A_38 = tpu.memref_slice %arg2[%mul3A_20, %dma_wait3A_37] : memref<800x128xf32, #tpu.memory_space<hbm>> -> memref<32x128xf32, #tpu.memory_space<hbm>>
    tpu.wait_dma2 semaphore(%arg8 : memref<!tpu.dma_semaphore, #tpu.memory_space<semaphore_mem>>) src(%dma_wait3A_38 : memref<32x128xf32, #tpu.memory_space<hbm>>) dst(%arg5 : memref<32x128xf32, #tpu.memory_space<vmem>>)
    %parallel_loop3A_39 = arith.constant 0 : i32
    %parallel_loop3A_40 = arith.constant 25 : i32
    %parallel_loop3A_41 = arith.constant 1 : i32
    scf.for %parallel_loop3A_42 = %parallel_loop3A_39 to %parallel_loop3A_40 step %parallel_loop3A_41  : i32 {
      %parallel_loop3A_43 = arith.constant 128 : i32
      %parallel_loop3A_44 = arith.muli %parallel_loop3A_42, %parallel_loop3A_43 : i32
      %parallel_loop3A_45 = arith.constant 0 : i32
      %parallel_loop3A_46 = arith.addi %parallel_loop3A_44, %parallel_loop3A_45 : i32
      %parallel_loop3A_47 = arith.index_cast %parallel_loop3A_46 : i32 to index
      %parallel_loop3A_48 = tpu.vector_load %arg6[%parallel_loop3A_47] {strides = array<i32>} : memref<3200xi32, #tpu.memory_space<vmem>>, vector<16xi32>,
      %parallel_loop3A_49 = arith.addi %sub3A_21, %parallel_loop3A_42 : i32
      %parallel_loop3A_50 = arith.index_cast %parallel_loop3A_49 : i32 to index
      %parallel_loop3A_51 = arith.constant 0 : index
      %parallel_loop3A_52 = tpu.vector_load %arg5[%parallel_loop3A_50, %parallel_loop3A_51] {strides = array<i32>} : memref<32x128xf32, #tpu.memory_space<vmem>>, vector<16xf32>,
      tpu.vector_store_idx %arg7[%parallel_loop3A_48], %parallel_loop3A_52 {add = true} : memref<1024xf32, #tpu.memory_space<vmem>>[vector<16xi32>], vector<16xf32>,
      %parallel_loop3A_53 = arith.constant 128 : i32
      %parallel_loop3A_54 = arith.muli %parallel_loop3A_42, %parallel_loop3A_53 : i32
      %parallel_loop3A_55 = arith.constant 16 : i32
      %parallel_loop3A_56 = arith.addi %parallel_loop3A_54, %parallel_loop3A_55 : i32
      %parallel_loop3A_57 = arith.index_cast %parallel_loop3A_56 : i32 to index
      %parallel_loop3A_58 = tpu.vector_load %arg6[%parallel_loop3A_57] {strides = array<i32>} : memref<3200xi32, #tpu.memory_space<vmem>>, vector<16xi32>,
      %parallel_loop3A_59 = arith.addi %sub3A_21, %parallel_loop3A_42 : i32
      %parallel_loop3A_60 = arith.index_cast %parallel_loop3A_59 : i32 to index
      %parallel_loop3A_61 = arith.constant 16 : index
      %parallel_loop3A_62 = tpu.vector_load %arg5[%parallel_loop3A_60, %parallel_loop3A_61] {strides = array<i32>} : memref<32x128xf32, #tpu.memory_space<vmem>>, vector<16xf32>,
      tpu.vector_store_idx %arg7[%parallel_loop3A_58], %parallel_loop3A_62 {add = true} : memref<1024xf32, #tpu.memory_space<vmem>>[vector<16xi32>], vector<16xf32>,
      %parallel_loop3A_63 = arith.constant 128 : i32
      %parallel_loop3A_64 = arith.muli %parallel_loop3A_42, %parallel_loop3A_63 : i32
      %parallel_loop3A_65 = arith.constant 32 : i32
      %parallel_loop3A_66 = arith.addi %parallel_loop3A_64, %parallel_loop3A_65 : i32
      %parallel_loop3A_67 = arith.index_cast %parallel_loop3A_66 : i32 to index
      %parallel_loop3A_68 = tpu.vector_load %arg6[%parallel_loop3A_67] {strides = array<i32>} : memref<3200xi32, #tpu.memory_space<vmem>>, vector<16xi32>,
      %parallel_loop3A_69 = arith.addi %sub3A_21, %parallel_loop3A_42 : i32
      %parallel_loop3A_70 = arith.index_cast %parallel_loop3A_69 : i32 to index
      %parallel_loop3A_71 = arith.constant 32 : index
      %parallel_loop3A_72 = tpu.vector_load %arg5[%parallel_loop3A_70, %parallel_loop3A_71] {strides = array<i32>} : memref<32x128xf32, #tpu.memory_space<vmem>>, vector<16xf32>,
      tpu.vector_store_idx %arg7[%parallel_loop3A_68], %parallel_loop3A_72 {add = true} : memref<1024xf32, #tpu.memory_space<vmem>>[vector<16xi32>], vector<16xf32>,
      %parallel_loop3A_73 = arith.constant 128 : i32
      %parallel_loop3A_74 = arith.muli %parallel_loop3A_42, %parallel_loop3A_73 : i32
      %parallel_loop3A_75 = arith.constant 48 : i32
      %parallel_loop3A_76 = arith.addi %parallel_loop3A_74, %parallel_loop3A_75 : i32
      %parallel_loop3A_77 = arith.index_cast %parallel_loop3A_76 : i32 to index
      %parallel_loop3A_78 = tpu.vector_load %arg6[%parallel_loop3A_77] {strides = array<i32>} : memref<3200xi32, #tpu.memory_space<vmem>>, vector<16xi32>,
      %parallel_loop3A_79 = arith.addi %sub3A_21, %parallel_loop3A_42 : i32
      %parallel_loop3A_80 = arith.index_cast %parallel_loop3A_79 : i32 to index
      %parallel_loop3A_81 = arith.constant 48 : index
      %parallel_loop3A_82 = tpu.vector_load %arg5[%parallel_loop3A_80, %parallel_loop3A_81] {strides = array<i32>} : memref<32x128xf32, #tpu.memory_space<vmem>>, vector<16xf32>,
      tpu.vector_store_idx %arg7[%parallel_loop3A_78], %parallel_loop3A_82 {add = true} : memref<1024xf32, #tpu.memory_space<vmem>>[vector<16xi32>], vector<16xf32>,
      %parallel_loop3A_83 = arith.constant 128 : i32
      %parallel_loop3A_84 = arith.muli %parallel_loop3A_42, %parallel_loop3A_83 : i32
      %parallel_loop3A_85 = arith.constant 64 : i32
      %parallel_loop3A_86 = arith.addi %parallel_loop3A_84, %parallel_loop3A_85 : i32
      %parallel_loop3A_87 = arith.index_cast %parallel_loop3A_86 : i32 to index
      %parallel_loop3A_88 = tpu.vector_load %arg6[%parallel_loop3A_87] {strides = array<i32>} : memref<3200xi32, #tpu.memory_space<vmem>>, vector<16xi32>,
      %parallel_loop3A_89 = arith.addi %sub3A_21, %parallel_loop3A_42 : i32
      %parallel_loop3A_90 = arith.index_cast %parallel_loop3A_89 : i32 to index
      %parallel_loop3A_91 = arith.constant 64 : index
      %parallel_loop3A_92 = tpu.vector_load %arg5[%parallel_loop3A_90, %parallel_loop3A_91] {strides = array<i32>} : memref<32x128xf32, #tpu.memory_space<vmem>>, vector<16xf32>,
      tpu.vector_store_idx %arg7[%parallel_loop3A_88], %parallel_loop3A_92 {add = true} : memref<1024xf32, #tpu.memory_space<vmem>>[vector<16xi32>], vector<16xf32>,
      %parallel_loop3A_93 = arith.constant 128 : i32
      %parallel_loop3A_94 = arith.muli %parallel_loop3A_42, %parallel_loop3A_93 : i32
      %parallel_loop3A_95 = arith.constant 80 : i32
      %parallel_loop3A_96 = arith.addi %parallel_loop3A_94, %parallel_loop3A_95 : i32
      %parallel_loop3A_97 = arith.index_cast %parallel_loop3A_96 : i32 to index
      %parallel_loop3A_98 = tpu.vector_load %arg6[%parallel_loop3A_97] {strides = array<i32>} : memref<3200xi32, #tpu.memory_space<vmem>>, vector<16xi32>,
      %parallel_loop3A_99 = arith.addi %sub3A_21, %parallel_loop3A_42 : i32
      %parallel_loop3A_100 = arith.index_cast %parallel_loop3A_99 : i32 to index
      %parallel_loop3A_101 = arith.constant 80 : index
      %parallel_loop3A_102 = tpu.vector_load %arg5[%parallel_loop3A_100, %parallel_loop3A_101] {strides = array<i32>} : memref<32x128xf32, #tpu.memory_space<vmem>>, vector<16xf32>,
      tpu.vector_store_idx %arg7[%parallel_loop3A_98], %parallel_loop3A_102 {add = true} : memref<1024xf32, #tpu.memory_space<vmem>>[vector<16xi32>], vector<16xf32>,
      %parallel_loop3A_103 = arith.constant 128 : i32
      %parallel_loop3A_104 = arith.muli %parallel_loop3A_42, %parallel_loop3A_103 : i32
      %parallel_loop3A_105 = arith.constant 96 : i32
      %parallel_loop3A_106 = arith.addi %parallel_loop3A_104, %parallel_loop3A_105 : i32
      %parallel_loop3A_107 = arith.index_cast %parallel_loop3A_106 : i32 to index
      %parallel_loop3A_108 = tpu.vector_load %arg6[%parallel_loop3A_107] {strides = array<i32>} : memref<3200xi32, #tpu.memory_space<vmem>>, vector<16xi32>,
      %parallel_loop3A_109 = arith.addi %sub3A_21, %parallel_loop3A_42 : i32
      %parallel_loop3A_110 = arith.index_cast %parallel_loop3A_109 : i32 to index
      %parallel_loop3A_111 = arith.constant 96 : index
      %parallel_loop3A_112 = tpu.vector_load %arg5[%parallel_loop3A_110, %parallel_loop3A_111] {strides = array<i32>} : memref<32x128xf32, #tpu.memory_space<vmem>>, vector<16xf32>,
      tpu.vector_store_idx %arg7[%parallel_loop3A_108], %parallel_loop3A_112 {add = true} : memref<1024xf32, #tpu.memory_space<vmem>>[vector<16xi32>], vector<16xf32>,
      %parallel_loop3A_113 = arith.constant 128 : i32
      %parallel_loop3A_114 = arith.muli %parallel_loop3A_42, %parallel_loop3A_113 : i32
      %parallel_loop3A_115 = arith.constant 112 : i32
      %parallel_loop3A_116 = arith.addi %parallel_loop3A_114, %parallel_loop3A_115 : i32
      %parallel_loop3A_117 = arith.index_cast %parallel_loop3A_116 : i32 to index
      %parallel_loop3A_118 = tpu.vector_load %arg6[%parallel_loop3A_117] {strides = array<i32>} : memref<3200xi32, #tpu.memory_space<vmem>>, vector<16xi32>,
      %parallel_loop3A_119 = arith.addi %sub3A_21, %parallel_loop3A_42 : i32
      %parallel_loop3A_120 = arith.index_cast %parallel_loop3A_119 : i32 to index
      %parallel_loop3A_121 = arith.constant 112 : index
      %parallel_loop3A_122 = tpu.vector_load %arg5[%parallel_loop3A_120, %parallel_loop3A_121] {strides = array<i32>} : memref<32x128xf32, #tpu.memory_space<vmem>>, vector<16xf32>,
      tpu.vector_store_idx %arg7[%parallel_loop3A_118], %parallel_loop3A_122 {add = true} : memref<1024xf32, #tpu.memory_space<vmem>>[vector<16xi32>], vector<16xf32>,
    } {sc.loop_unroll_factor = 4 : i64, sc.parallel_access}
    "tpu.region"() ({
      %run_scoped3A = tpu.sem_alloc : memref<!tpu.dma_semaphore, #tpu.memory_space<semaphore_mem>>
      %dma_start3A_42 = arith.constant 0 : i32
      %dma_start3A_43 = tpu.memref_slice %arg4[%add3A, %dma_start3A_42] : memref<32x1024xf32, #tpu.memory_space<hbm>> -> memref<1x1024xf32, #tpu.memory_space<hbm>>
      %dma_start3A_44 = tpu.memref_squeeze %dma_start3A_43 : memref<1x1024xf32, #tpu.memory_space<hbm>> -> memref<1024xf32, #tpu.memory_space<hbm>>
      %dma_start3A_45 = arith.constant 0 : i32
      %dma_start3A_46 = tpu.memref_slice %arg4[%add3A, %dma_start3A_45] : memref<32x1024xf32, #tpu.memory_space<hbm>> -> memref<1x1024xf32, #tpu.memory_space<hbm>>
      %dma_start3A_47 = tpu.memref_squeeze %dma_start3A_46 : memref<1x1024xf32, #tpu.memory_space<hbm>> -> memref<1024xf32, #tpu.memory_space<hbm>>
      tpu.enqueue_dma source(%arg7 : memref<1024xf32, #tpu.memory_space<vmem>>) target(%dma_start3A_47 : memref<1024xf32, #tpu.memory_space<hbm>>) target_semaphore(%run_scoped3A : memref<!tpu.dma_semaphore, #tpu.memory_space<semaphore_mem>>)
      %dma_wait3A_48 = arith.constant 0 : i32
      %dma_wait3A_49 = tpu.memref_slice %arg4[%add3A, %dma_wait3A_48] : memref<32x1024xf32, #tpu.memory_space<hbm>> -> memref<1x1024xf32, #tpu.memory_space<hbm>>
      %dma_wait3A_50 = tpu.memref_squeeze %dma_wait3A_49 : memref<1x1024xf32, #tpu.memory_space<hbm>> -> memref<1024xf32, #tpu.memory_space<hbm>>
      %dma_wait3A_51 = arith.constant 0 : i32
      %dma_wait3A_52 = tpu.memref_slice %arg4[%add3A, %dma_wait3A_51] : memref<32x1024xf32, #tpu.memory_space<hbm>> -> memref<1x1024xf32, #tpu.memory_space<hbm>>
      %dma_wait3A_53 = tpu.memref_squeeze %dma_wait3A_52 : memref<1x1024xf32, #tpu.memory_space<hbm>> -> memref<1024xf32, #tpu.memory_space<hbm>>
      tpu.wait_dma2 semaphore(%run_scoped3A : memref<!tpu.dma_semaphore, #tpu.memory_space<semaphore_mem>>) src(%arg7 : memref<1024xf32, #tpu.memory_space<vmem>>) dst(%dma_wait3A_53 : memref<1024xf32, #tpu.memory_space<hbm>>)
      tpu.yield
    }) : () -> ()
    return
  }
}

module attributes {stable_mosaic.version = 14 : i64} {
  func.func @_mlp_body(%arg0: i32, %arg1: memref<20480x128xf32, #tpu.memory_space<vmem>>, %arg2: memref<64x128xf32, #tpu.memory_space<vmem>>, %arg3: memref<1x64xf32, #tpu.memory_space<vmem>>, %arg4: memref<64x1xf32, #tpu.memory_space<vmem>>, %arg5: memref<1x1xf32, #tpu.memory_space<vmem>>, %arg6: memref<160x128xf32, #tpu.memory_space<vmem>>) attributes {dimension_semantics = [#tpu.dimension_semantics<arbitrary>], iteration_bounds = array<i64: 5>, scalar_prefetch = 0 : i64, scratch_operands = 0 : i64, tpu.core_type = #tpu.core_type<tc>, window_params = [{transform_indices = @transform_0, window_bounds = array<i64: 20480, 128>}, {pipeline_mode = #tpu.pipeline_mode<synchronous>, transform_indices = @transform_1, window_bounds = array<i64: 64, 128>}, {pipeline_mode = #tpu.pipeline_mode<synchronous>, transform_indices = @transform_2, window_bounds = array<i64: 1, 64>}, {pipeline_mode = #tpu.pipeline_mode<synchronous>, transform_indices = @transform_3, window_bounds = array<i64: 64, 1>}, {pipeline_mode = #tpu.pipeline_mode<synchronous>, transform_indices = @transform_4, window_bounds = array<i64: 1, 1>}, {transform_indices = @transform_5, window_bounds = array<i64: 160, 128>}]} {
    %get3A = arith.constant 0 : index
    %get3A_0 = arith.constant 0 : index
    %get3A_1 = vector.load %arg1[%get3A, %get3A_0] : memref<20480x128xf32, #tpu.memory_space<vmem>>, vector<20480x128xf32>
    %get3A_2 = arith.constant 0 : index
    %get3A_3 = arith.constant 0 : index
    %get3A_4 = vector.load %arg2[%get3A_2, %get3A_3] : memref<64x128xf32, #tpu.memory_space<vmem>>, vector<64x128xf32>
    %dot_general3A = arith.constant dense<0.000000e+00> : vector<20480x64xf32>
    %dot_general3A_5 = tpu.matmul %get3A_1, %get3A_4, %dot_general3A {dimension_numbers = #tpu.dot_dimension_numbers<[1], [1], [0], [0], [0, 0, 1, 0], [], []>, transpose_lhs_hint = false} : vector<20480x128xf32>, vector<64x128xf32>, vector<20480x64xf32> -> vector<20480x64xf32>
    %get3A_6 = arith.constant 0 : index
    %get3A_7 = arith.constant 0 : index
    %get3A_8 = vector.load %arg3[%get3A_6, %get3A_7] : memref<1x64xf32, #tpu.memory_space<vmem>>, vector<1x64xf32>
    %add3A = vector.broadcast %get3A_8 : vector<1x64xf32> to vector<20480x64xf32>
    %add3A_9 = arith.addf %dot_general3A_5, %add3A : vector<20480x64xf32>
    %logistic3A = arith.negf %add3A_9 : vector<20480x64xf32>
    %logistic3A_10 = math.exp %logistic3A : vector<20480x64xf32>
    %logistic3A_11 = arith.constant 1.000000e+00 : f32
    %logistic3A_12 = vector.broadcast %logistic3A_11 : f32 to vector<20480x64xf32>
    %logistic3A_13 = arith.addf %logistic3A_12, %logistic3A_10 : vector<20480x64xf32>
    %logistic3A_14 = arith.divf %logistic3A_12, %logistic3A_13 : vector<20480x64xf32>
    %mul3A = arith.mulf %add3A_9, %logistic3A_14 : vector<20480x64xf32>
    %get3A_15 = arith.constant 0 : index
    %get3A_16 = arith.constant 0 : index
    %get3A_17 = vector.load %arg4[%get3A_15, %get3A_16] : memref<64x1xf32, #tpu.memory_space<vmem>>, vector<64x1xf32>
    %dot_general3A_18 = arith.constant dense<0.000000e+00> : vector<20480x1xf32>
    %dot_general3A_19 = tpu.matmul %mul3A, %get3A_17, %dot_general3A_18 {dimension_numbers = #tpu.dot_dimension_numbers<[1], [0], [0], [1], [0, 0, 1, 1], [], []>, transpose_lhs_hint = false} : vector<20480x64xf32>, vector<64x1xf32>, vector<20480x1xf32> -> vector<20480x1xf32>
    %get3A_20 = arith.constant 0 : index
    %get3A_21 = arith.constant 0 : index
    %get3A_22 = vector.load %arg5[%get3A_20, %get3A_21] : memref<1x1xf32, #tpu.memory_space<vmem>>, vector<1x1xf32>
    %add3A_23 = vector.broadcast %get3A_22 : vector<1x1xf32> to vector<20480x1xf32>
    %add3A_24 = arith.addf %dot_general3A_19, %add3A_23 : vector<20480x1xf32>
    %reshape3A = vector.shape_cast %add3A_24 : vector<20480x1xf32> to vector<160x128xf32>
    %mul3A_25 = arith.constant 20480 : i32
    %mul3A_26 = arith.muli %arg0, %mul3A_25 : i32
    %iota3A = tpu.iota {dimensions = array<i32: 0>} : vector<160x128xi32>
    %mul3A_27 = arith.constant 128 : i32
    %mul3A_28 = vector.broadcast %mul3A_27 : i32 to vector<160x128xi32>
    %mul3A_29 = arith.muli %iota3A, %mul3A_28 : vector<160x128xi32>
    %add3A_30 = vector.broadcast %mul3A_26 : i32 to vector<160x128xi32>
    %add3A_31 = arith.addi %add3A_30, %mul3A_29 : vector<160x128xi32>
    %iota3A_32 = tpu.iota {dimensions = array<i32: 1>} : vector<160x128xi32>
    %add3A_33 = arith.addi %add3A_31, %iota3A_32 : vector<160x128xi32>
    %lt3A = arith.constant 100000 : i32
    %lt3A_34 = vector.broadcast %lt3A : i32 to vector<160x128xi32>
    %lt3A_35 = arith.cmpi slt, %add3A_33, %lt3A_34 : vector<160x128xi32>
    %jit3A = arith.constant 0.000000e+00 : f32
    %broadcast_in_dim3A = vector.broadcast %jit3A : f32 to vector<160x128xf32>
    %select_n3A = arith.select %lt3A_35, %reshape3A, %broadcast_in_dim3A : vector<160x128xi1>, vector<160x128xf32>
    %swap3A = arith.constant 0 : index
    %swap3A_36 = arith.constant 0 : index
    %swap3A_37 = vector.load %arg6[%swap3A, %swap3A_36] : memref<160x128xf32, #tpu.memory_space<vmem>>, vector<160x128xf32>
    tpu.vector_store %arg6[%swap3A, %swap3A_36], %select_n3A {strides = array<i32>} : memref<160x128xf32, #tpu.memory_space<vmem>>, vector<160x128xf32>,
    return
  }
  func.func @transform_0(%arg0: i32) -> (i32, i32) {
    %c0_i32 = arith.constant 0 : i32
    %c0_i32_0 = arith.constant 0 : i32
    return %arg0, %c0_i32 : i32, i32
  }
  func.func @transform_1(%arg0: i32) -> (i32, i32) {
    %c0_i32 = arith.constant 0 : i32
    %c0_i32_0 = arith.constant 0 : i32
    %c0_i32_1 = arith.constant 0 : i32
    return %c0_i32, %c0_i32_0 : i32, i32
  }
  func.func @transform_2(%arg0: i32) -> (i32, i32) {
    %c0_i32 = arith.constant 0 : i32
    %c0_i32_0 = arith.constant 0 : i32
    %c0_i32_1 = arith.constant 0 : i32
    return %c0_i32, %c0_i32_0 : i32, i32
  }
  func.func @transform_3(%arg0: i32) -> (i32, i32) {
    %c0_i32 = arith.constant 0 : i32
    %c0_i32_0 = arith.constant 0 : i32
    %c0_i32_1 = arith.constant 0 : i32
    return %c0_i32, %c0_i32_0 : i32, i32
  }
  func.func @transform_4(%arg0: i32) -> (i32, i32) {
    %c0_i32 = arith.constant 0 : i32
    %c0_i32_0 = arith.constant 0 : i32
    %c0_i32_1 = arith.constant 0 : i32
    return %c0_i32, %c0_i32_0 : i32, i32
  }
  func.func @transform_5(%arg0: i32) -> (i32, i32) {
    %c0_i32 = arith.constant 0 : i32
    %c0_i32_0 = arith.constant 0 : i32
    return %arg0, %c0_i32 : i32, i32
  }
}

module attributes {stable_mosaic.version = 14 : i64} {
  func.func @_combine_body(%arg0: memref<32x1024xf32, #tpu.memory_space<vmem>>, %arg1: memref<1x1024xf32, #tpu.memory_space<vmem>>) attributes {dimension_semantics = [], scalar_prefetch = 0 : i64, scratch_operands = 0 : i64, tpu.core_type = #tpu.core_type<tc>} {
    %get3A = arith.constant 0 : index
    %get3A_0 = arith.constant 0 : index
    %get3A_1 = vector.load %arg0[%get3A, %get3A_0] : memref<32x1024xf32, #tpu.memory_space<vmem>>, vector<32x1024xf32>
    %reduce_sum3A = arith.constant dense<0.000000e+00> : vector<1024xf32>
    %reduce_sum3A_2 = vector.multi_reduction <add>, %get3A_1, %reduce_sum3A [0] : vector<32x1024xf32> to vector<1024xf32>
    %broadcast_in_dim3A = vector.shape_cast %reduce_sum3A_2 : vector<1024xf32> to vector<1x1024xf32>
    %swap3A = arith.constant 0 : index
    %swap3A_3 = arith.constant 0 : index
    %swap3A_4 = vector.load %arg1[%swap3A, %swap3A_3] : memref<1x1024xf32, #tpu.memory_space<vmem>>, vector<1x1024xf32>
    tpu.vector_store %arg1[%swap3A, %swap3A_3], %broadcast_in_dim3A {strides = array<i32>} : memref<1x1024xf32, #tpu.memory_space<vmem>>, vector<1x1024xf32>,
    return
  }
}

</mosaic_0001>

<sc_bundles>
// kernel: kernel.5.cloned.1.call-start
scs
__scs_entry_jumppad:
0x0: {  	(pc) =	sbr.rel $0x88, $3  }
0x1: {  	(tag) =	ssettag $0x0;
	lr =	simm.s32 $0x1  }
0x2: {  	[smem:$0x3F9B] =	sst lr;
	_ =	strace $0xD0000000  }
0x3: {  	_ = 	snop  }
0x4: {  	_ = 	snop  }
0x5: {  	_ = 	snop  }
0x6: {  	_ = 	snop  }
0x7: {  	_ = 	snop  }
__scs_overlays_trampoline_lowered:
0x8: {  	[smem:$0x3FAA] =	sst s0  }
0x9: {  	[smem:$0x3FAB] =	sst s1  }
0xa: {  	[smem:$0x3FAC] =	sst s2  }
0xb: {  	[smem:$0x3FAD] =	sst s3  }
0xc: {  	[smem:$0x3FAE] =	sst s4  }
0xd: {  	[smem:$0x3FAF] =	sst s5  }
0xe: {  	[smem:$0x3FB0] =	sst s6  }
0xf: {  	[smem:$0x3FB1] =	sst s7  }
0x10: {  	[smem:$0x3FB2] =	sst s8  }
0x11: {  	[smem:$0x3FB3] =	sst s9;
	s0 =	simm.s32 @!p0 $0x0  }
0x12: {  	s1 =	sld [smem:$0x3F99];
	s0 =	simm.s32 @p0 $0x1  }
0x13: {  	[smem:$0x3FB4] =	sst s0;
	s0 =	simm.s32 @!p1 $0x0  }
0x14: {  	s2 =	sld [smem:$0x3F98];
	s0 =	simm.s32 @p1 $0x1  }
0x15: {  	[smem:$0x3FB5] =	sst s0;
	s0 =	simm.s32 @!p2 $0x0  }
0x16: {  	s3 =	sld [smem:$0x3FDB];
	s0 =	simm.s32 @p2 $0x1  }
0x17: {  	s4 =	simm.s32 $0x1BF5;
	[smem:$0x3FB7] =	sst s0  }
0x18: {  	s0 =	sld [smem:$0x3F9A];
	_ =	swait.ge [sflag:s4], $0x0  }
0x19: {  	s7 =	sld [smem:$0x3F9B]  }
0x1a: {  	s8 =	sadd.s32 $0xFFFFE003, lr  }
0x1b: {  	s9 =	sadd.s32 $0xFFFFFEF7, lr;
	s5 =	simm.s32 $0xFFFFFFFF;
	p2 =	slt.u32 s8, $0xFFFFF086  }
0x1c: {  	p1 =	slt.u32 s9, $0xF7A;
	s5 =	simm.s32 @!p2 $0x0  }
0x1d: {  	s5 =	simm.s32 @p1 $0x1;
	p0 =	seq.s32 s7, s2  }
0x1e: {  	s7 =	smul.u32 @!p0 $0xF7A, s2;
	p2 =	seq.s32 @!p0 s5, $0x0  }
0x1f: {  	s9 =	smul.u32 $0xF7A, s1;
	s8 =	simm.s32 @!p0 $0x1BF5;
	p2 =	por !p2, p0  }
0x20: {  	[sflag:s8] =	ssyncset.s32 @!p0 $0xFFFFF086;
	s6 =	sadd.s32 @!p0 s3, s7;
	s7 =	simm.s32 @!p0 $0x108  }
0x21: {  	s3 =	sadd.s32 s3, s9;
	s6 =	sadd.s32 @!p0 $0x88, s6;
	s7 =	simm.s32 @p2 $0x1082  }
0x22: {  	[simem:s7], [sflag:s8] =	dma.local @!p0 [hbm:s6], $0xF7A  }
0x23: {  	s9 =	sor.u32 $0xD0000000, s2;
	s6 =	simm.s32 $0x108;
	_ =	swait.ge @!p0 [sflag:s8], $0x0  }
0x24: {  	s3 =	sadd.s32 $0x88, s3;
	s6 =	simm.s32 @!p1 $0x1082;
	[sflag:s4] =	ssyncset.s32 $0xFFFFF086  }
0x25: {  	[simem:s6], [sflag:s4] =	dma.local [hbm:s3], $0xF7A  }
0x26: {  	[smem:$0x3F9B] =	sst s1;
	(tag) =	ssettag s2;
	_ =	strace s9  }
0x27: {  	s1 =	sld [smem:$0x3FAB]  }
0x28: {  	s2 =	sld [smem:$0x3FAC]  }
0x29: {  	s4 =	sld [smem:$0x3FAE]  }
0x2a: {  	p0 =	seq.s32 s5, $0x0;
	s5 =	sld [smem:$0x3FAF]  }
0x2b: {  	s6 =	sld [smem:$0x3FB0]  }
0x2c: {  	s7 =	sld [smem:$0x3FB1]  }
0x2d: {  	s3 =	simm.s32 $0x108;
	s8 =	sld [smem:$0x3FB2]  }
0x2e: {  	s3 =	simm.s32 @!p0 $0x1082;
	s9 =	sld [smem:$0x3FB3]  }
0x2f: {  	lr =	sadd.s32 s0, s3;
	s0 =	sld [smem:$0x3FAA]  }
0x30: {  	s3 =	sld [smem:$0x3FAD]  }
0x31: {  	[smem:$0x3FB6] =	sst s10  }
0x32: {  	s10 =	sld [smem:$0x3FB4];
	_ =	sdelay $0x3  }
0x33: {  	p0 =	seq.s32 s10, $0x1;
	s10 =	sld [smem:$0x3FB6];
	_ =	sdelay $0x3  }
0x34: {  	[smem:$0x3FB6] =	sst s10  }
0x35: {  	s10 =	sld [smem:$0x3FB5];
	_ =	sdelay $0x3  }
0x36: {  	p1 =	seq.s32 s10, $0x1;
	s10 =	sld [smem:$0x3FB6];
	_ =	sdelay $0x3  }
0x37: {  	[smem:$0x3FB6] =	sst s10  }
0x38: {  	s10 =	sld [smem:$0x3FB7]  }
0x39: {  	_ = 	snop;
	(pc) =	sbr.ind lr, $3  }
0x3a: {  	_ = 	snop  }
0x3b: {  	_ = 	snop  }
0x3c: {  	p2 =	seq.s32 s10, $0x1;
	s10 =	sld [smem:$0x3FB6]  }
0x3d: {  	_ =	shalt  }
0x3e: {  	_ =	shalt  }
0x3f: {  	_ =	shalt  }
0x40: {  	_ =	shalt  }
0x41: {  	_ =	shalt  }
0x42: {  	_ =	shalt  }
0x43: {  	_ =	shalt  }
0x44: {  	_ =	shalt  }
0x45: {  	_ =	shalt  }
0x46: {  	_ =	shalt  }
0x47: {  	_ =	shalt  }
0x48: {  	_ =	shalt  }
0x49: {  	_ =	shalt  }
0x4a: {  	_ =	shalt  }
0x4b: {  	_ =	shalt  }
0x4c: {  	_ =	shalt  }
0x4d: {  	_ =	shalt  }
0x4e: {  	_ =	shalt  }
0x4f: {  	_ =	shalt  }
0x50: {  	_ =	shalt  }
0x51: {  	_ =	shalt  }
0x52: {  	_ =	shalt  }
0x53: {  	_ =	shalt  }
0x54: {  	_ =	shalt  }
0x55: {  	_ =	shalt  }
0x56: {  	_ =	shalt  }
0x57: {  	_ =	shalt  }
0x58: {  	_ =	shalt  }
0x59: {  	_ =	shalt  }
0x5a: {  	_ =	shalt  }
0x5b: {  	_ =	shalt  }
0x5c: {  	_ =	shalt  }
0x5d: {  	_ =	shalt  }
0x5e: {  	_ =	shalt  }
0x5f: {  	_ =	shalt  }
0x60: {  	_ =	shalt  }
0x61: {  	_ =	shalt  }
0x62: {  	_ =	shalt  }
0x63: {  	_ =	shalt  }
0x64: {  	_ =	shalt  }
0x65: {  	_ =	shalt  }
0x66: {  	_ =	shalt  }
0x67: {  	_ =	shalt  }
0x68: {  	_ =	shalt  }
0x69: {  	_ =	shalt  }
0x6a: {  	_ =	shalt  }
0x6b: {  	_ =	shalt  }
0x6c: {  	_ =	shalt  }
0x6d: {  	_ =	shalt  }
0x6e: {  	_ =	shalt  }
0x6f: {  	_ =	shalt  }
0x70: {  	_ =	shalt  }
0x71: {  	_ =	shalt  }
0x72: {  	_ =	shalt  }
0x73: {  	_ =	shalt  }
0x74: {  	_ =	shalt  }
0x75: {  	_ =	shalt  }
0x76: {  	_ =	shalt  }
0x77: {  	_ =	shalt  }
0x78: {  	_ =	shalt  }
0x79: {  	_ =	shalt  }
0x7a: {  	_ =	shalt  }
0x7b: {  	_ =	shalt  }
0x7c: {  	_ =	shalt  }
0x7d: {  	_ =	shalt  }
0x7e: {  	_ =	shalt  }
0x7f: {  	_ =	shalt  }
0x80: {  	_ =	shalt  }
0x81: {  	_ =	shalt  }
0x82: {  	_ =	shalt  }
0x83: {  	_ =	shalt  }
0x84: {  	_ =	shalt  }
0x85: {  	_ =	shalt  }
0x86: {  	_ =	shalt  }
0x87: {  	_ =	shalt  }
.Lfunc_end0:
.L_simem_size_0:
called_computation_lowered:
.L_overlay_start_0:
0x88: {  	s2 =	sld [smem:$0x3FD9]  }
0x89: {  	s3 =	sld [smem:$0x3FFE];
	_ =	sdelay $0x1  }
0x8a: {  	s1 =	srdreg.scid  }
0x8b: {  	s0 =	sand.u32 $0x1, s1  }
0x8c: {  	s17 =	sshll.u32 s0, $0xA;
	s2 =	sadd.s32 s3, s2  }
0x8d: {  	s2 =	sadd.s32 s2, s17  }
0x8e: {  	[smem:$0x3FC2] =	sst s2  }
0x8f: {  	_ = 	snop  }
0x90: {  	s2 =	sld [smem:$0x3FC8];
	(tm) =	ssettm $0x1  }
0x91: {  	s18 =	sld [smem:$0x3FFB];
	_ =	sdelay $0x3  }
0x92: {  	_ =	strace s18  }
0x93: {  	s3 =	sld [smem:$0x3FFC];
	_ =	sdelay $0x3  }
0x94: {  	_ =	strace s3  }
0x95: {  	s3 =	sld [smem:$0x3FFD];
	_ =	sdelay $0x3  }
0x96: {  	_ =	strace s3  }
0x97: {  	_ =	strace $0x8FFFFFFF  }
0x98: {  	s19 =	sld [smem:$0x3FDB];
	_ =	sdelay $0x1  }
0x99: {  	s4 =	simm.s32 $_scs_section_size  }
0x9a: {  	s5 =	simm.s32 $_size__tile_overlayer_lowered;
	s6 =	simm.s32 $_tile_overlayer_lowered  }
0x9b: {  	s22 =	simm.s32 $0x1BFF;
	s21 =	sshll.u32 s6, $0x1;
	s3 =	sadd.s32 s4, s19  }
0x9c: {  	s7 =	simm.s32 $0x0;
	s20 =	sshll.u32 s5, $0x1;
	s5 =	sadd.s32 s21, s3  }
0x9d: {  	[timem:s7], [sflag:s22] =	dma.local [hbm:s5], s20  }
0x9e: {  	_ =	swait.ge [sflag:s22], s20  }
0x9f: {  	s4 =	ssub.s32 $0x0, s20;
	[sflag:s22] =	ssyncset.done $0x0  }
0xa0: {  	[sflag:s22] =	ssyncadd.s32 s4;
	_ =	sdelay $0x1  }
0xa1: {  	s23 =	simm.s32 $0x1B8B  }
0xa2: {  	_ =	swait.ge [sflag:s23], $0x1  }
0xa3: {  	[sflag:s23] =	ssyncset.done $0x0  }
0xa4: {  	s25 =	simm.s32 $0x1B8E;
	s24 =	sld [smem:$0x3FFE];
	[sflag:s23] =	ssyncadd.s32 $0xFFFFFFFF  }
0xa5: {  	s26 =	simm.s32 $execute0_lowered;
	[smem:$0x3FD2] =	sst s25  }
0xa6: {  	s5 =	sshll.u32 s26, $0x1;
	_ =	strace $0x80000046;
	[dreg:$0x1] =	wrdreg $0xFFFFFFFF  }
0xa7: {  	s28 =	simm.s32 $_size_execute0_lowered;
	s3 =	sadd.s32 s3, s5;
	[dreg:$0x0] =	wrdreg $0x0  }
0xa8: {  	s5 =	sshll.u32 s28, $0x1;
	[dreg:$0x2] =	wrdreg s3  }
0xa9: {  	[dreg:$0x3] =	wrdreg s5  }
0xaa: {  	[dreg:$0x4] =	wrdreg $0xC0  }
0xab: {  	_ =	task [dreg:s7], $0x5FFFF  }
0xac: {  	[dreg:$0x1] =	wrdreg $0xFFFFFFFF  }
0xad: {  	[dreg:$0x0] =	wrdreg $0x60  }
0xae: {  	[dreg:$0x2] =	wrdreg s24  }
0xaf: {  	[dreg:$0x3] =	wrdreg s2  }
0xb0: {  	[dreg:$0x4] =	wrdreg $0x9  }
0xb1: {  	_ =	task.clear_ibuf [dreg:s7], $0x5FFFF;
	_ =	strace $0x90000046  }
0xb2: {  	s29 =	simm.s32 $0x9;
	_ =	strace $0x80000048  }
0xb3: {  	_ =	swait.ge [sflag:s29], $0x1  }
0xb4: {  	[sflag:s29] =	ssyncadd.s32 $0xFFFFFFFF  }
0xb5: {  	_ =	strace $0x90000048  }
0xb6: {  	_ =	sfence  }
0xb7: {  	s30 =	sld [smem:$0x0];
	_ =	sdelay $0x2  }
0xb8: {  	s31 =	sshll.u32 s1, $0xD;
	s1 =	sshrl.u32 s1, $0x2  }
0xb9: {  	s3 =	sand.u32 $0x4000, s31;
	s1 =	sadd.s32 s1, s30  }
0xba: {  	s0 =	sor.u32 s3, s0;
	s1 =	sshll.u32 s1, $0x11  }
0xbb: {  	s0 =	sor.u32 s1, s0  }
0xbc: {  	s0 =	sadd.s32 $0x8F2B, s0  }
0xbd: {  	[sflag:s0] =	ssyncadd.remote.s32 $0x1  }
0xbe: {  	_ =	sfence.sel $0xFFFF  }
0xbf: {  	[dreg:$0x0] =	wrdreg $0xFFFFFFFF;
	(pc) =	sbr.abs _section_cstart, $3  }
0xc0: {  	[dreg:$0x1] =	wrdreg $0xFFFFFFFF  }
0xc1: {  	_ =	task.clear_ibuf [dreg:s7], $0x2FFFF;
	_ =	strace $0x9FFFFFFF  }
0xc2: {  	(tm) =	ssettm $0x7FFFFFFF  }
0xc3: {  	_ =	shalt  }
tec
execute0_lowered:
.L_overlay_start_1:
0x0: {  	(tag) =	ssettag $0x1  }
0x1: {  	s3 =	rddreg [dreg:$0x0];
	s1 =	srdreg.scid  }
0x2: {  	s0 =	stileid.u32;
	s5 =	rddreg [dreg:$0x1]  }
0x3: {  	s2 =	simm.s32 $0x0;
	s13 =	simm.s32 $0x1C80;
	s14 =	simm.s32 $0x80  }
0x4: {  	s15 =	simm.s32 $0x400;
	s16 =	simm.s32 $0x3;
	s17 =	simm.s32 $0x0  }
0x5: {  	s4 =	sand.u32 $0x1, s1;
	s6 =	sshll.u32 s0, $0x1;
	s1 =	rddreg [dreg:$0x2]  }
0x6: {  	[smem:$0x7FF] =	sst s2;
	s7 =	sshll.u32 s0, $0x8;
	s10 =	sor.u32 s4, s6  }
0x7: {  	_ =	strace $0x80000047;
	s7 =	sand.u32 $0xC00, s7;
	s4 =	ssub.s32 $0x2, s4  }
0x8: {  	s6 =	smul.u32 $0x190, s10;
	s7 =	sadd.s32 s7, s3;
	s30 =	sshrl.u32 s4, $0x1  }
0x9: {  	s11 =	sand.u32 $0x7, s10;
	s12 =	sshll.u32 s10, $0x4;
	p0 =	seq.s32 s10, $0x1F  }
0xa: {  	s10 =	simm.s32 $0x1000;
	s9 =	ssub.s32 s4, s30;
	s31 =	sand.u32 $0x70, s12  }
0xb: {  	s12 =	simm.s32 $0x1;
	s8 =	sand.u32 $0x3F80, s6;
	s4 =	sadd.s32 s5, s6  }
0xc: {  	s5 =	sadd.s32 $0x3070, s5;
	s6 =	sshll.u32 s11, $0x7;
	s7 =	sadd.s32 s31, s7  }
0xd: {  	s11 =	simm.s32 $0x2;
	s8 =	sadd.s32 s8, s3;
	s7 =	sadd.s32 $0x3E00, s7  }
0xe: {  	v0 =	vimm.s32 $0x0;
	v1 =	vimm.f32 $0.0e+00;
	s3 =	sadd.s32 $0xC00, s8;
	s8 =	smax.u32 s9, $0x1;
	s9 =	sadd.s32 $0x100, s6  }
.LBB2_1:
.Ltmp0:
0xf: {  	(pc) =	sbr.rel @!p0 .LBB2_2-.Ltmp0, $2  }
0x10: {  	_ =	sdelay $0x2  }
0x11: {  	[tilespmem:s2], [sflag:$0x1] =	stream.linear.gather [hbm4b:s3+s2], $0x1000, $0x38;
	[tilespmem:$0x2080] =	vst v63  }
0x12: {  	[tilespmem:s10], [sflag:$0x2] =	stream.linear.gather [hbm4b:s5+s2], $0x320, $0x38;
	[tilespmem:$0x2080] =	vst v63  }
0x13: {  	s18 =	simm.s32 $0xCC0;
	s19 =	simm.s32 $0x320  }
.LBB2_4:
0x14: {  	p1 =	sne.s32 s18, $0x31C0;
	[tilespmem:s19+$0x1000] =	vst v0;
	s19 =	smov.u32 s18;
	s18 =	sadd.s32 $0x40, s18  }
.Ltmp1:
0x15: {  	(pc) =	sbr.rel @p1 .LBB2_4-.Ltmp1, $2  }
0x16: {  	_ =	sdelay $0x2  }
0x17: {  	s19 =	sshra.s32 s19, $0x2  }
.Ltmp2:
0x18: {  	(pc) =	sbr.rel .LBB2_6-.Ltmp2, $4  }
0x19: {  	[tilespmem:s19+$0x1000] =	vst v0  }
0x1a: {  	_ =	swait.ge [sflag:s11], $0x320  }
0x1b: {  	[sflag:s11] =	ssyncset.done $0x0  }
0x1c: {  	[sflag:s11] =	ssyncadd.s32 $0xFFFFFCE0  }
.LBB2_2:
0x1d: {  	[tilespmem:s10], [sflag:$0x2] =	stream.linear.gather [hbm4b:s4+s2], $0xC80, $0x38;
	[tilespmem:$0x2080] =	vst v63  }
0x1e: {  	_ =	swait.ge [sflag:s11], $0xC80  }
0x1f: {  	[sflag:s11] =	ssyncset.done $0x0  }
0x20: {  	[sflag:s11] =	ssyncadd.s32 $0xFFFFF380  }
.LBB2_6:
0x21: {  	s18 =	simm.s32 $0x1CC0  }
0x22: {  	[tilespmem:s18+$0xFFFFFFC0] =	vst v1  }
0x23: {  	[tilespmem:s18+$0x30] =	vst v1  }
0x24: {  	[tilespmem:s18+$0x20] =	vst v1  }
0x25: {  	[tilespmem:s18+$0x10] =	vst v1  }
0x26: {  	[tilespmem:s18+$0x0] =	vst v1  }
0x27: {  	[tilespmem:s18+$0xFFFFFFF0] =	vst v1  }
0x28: {  	s19 =	simm.s32 $0x0;
	[tilespmem:s18+$0xFFFFFFE0] =	vst v1  }
.LBB2_7:
0x29: {  	s19 =	sadd.s32 $0x8, s19;
	[tilespmem:s18+$0xFFFFFFD0] =	vst v1;
	s18 =	sadd.s32 $0x80, s18  }
0x2a: {  	[tilespmem:s18+$0xFFFFFFC0] =	vst v1;
	p1 =	slt.u32 s19, $0x38  }
0x2b: {  	[tilespmem:s18+$0x30] =	vst v1  }
.Ltmp3:
0x2c: {  	[tilespmem:s18+$0x20] =	vst v1;
	(pc) =	sbr.rel @p1 .LBB2_7-.Ltmp3, $4  }
0x2d: {  	[tilespmem:s18+$0x10] =	vst v1  }
0x2e: {  	[tilespmem:s18+$0x0] =	vst v1  }
0x2f: {  	[tilespmem:s18+$0xFFFFFFF0] =	vst v1  }
0x30: {  	[tilespmem:s18+$0xFFFFFFE0] =	vst v1  }
0x31: {  	[tilespmem:s18+$0xFFFFFFD0] =	vst v1  }
0x32: {  	_ =	swait.ge [sflag:s12], $0x1000  }
0x33: {  	[sflag:s12] =	ssyncset.done $0x0  }
0x34: {  	s18 =	simm.s32 $0x1100;
	[sflag:s12] =	ssyncadd.s32 $0xFFFFF000  }
0x35: {  	v2 =	vld [tilespmem:s18+$0x80];
	_ =	sdelay $0x1  }
0x36: {  	v3 =	vld [tilespmem:s9+$0x80]  }
0x37: {  	v4 =	vld [tilespmem:s18+$0xFFFFFF80]  }
0x38: {  	v5 =	vld [tilespmem:s18+$0x0]  }
0x39: {  	v6 =	vld [tilespmem:s18+$0xFFFFFF00]  }
0x3a: {  	v7 =	vld [tilespmem:s9+$0xFFFFFF80]  }
0x3b: {  	v8 =	vld [tilespmem:s9+$0x0]  }
0x3c: {  	[tilespmem:v2+s13+$0x0] =	vst.idx.add.f32.msk $0xffff, v3  }
0x3d: {  	v3 =	vld [tilespmem:s9+$0xFFFFFF00]  }
0x3e: {  	v2 =	vld [tilespmem:s18+$0x90]  }
0x3f: {  	[tilespmem:v4+s13+$0x0] =	vst.idx.add.f32.msk $0xffff, v7  }
0x40: {  	[tilespmem:v5+s13+$0x0] =	vst.idx.add.f32.msk $0xffff, v8  }
0x41: {  	v9 =	vld [tilespmem:s9+$0x90]  }
0x42: {  	v4 =	vld [tilespmem:s18+$0xFFFFFF90]  }
0x43: {  	v46 =	vld [tilespmem:s9+$0xFFFFFF90]  }
0x44: {  	[tilespmem:v6+s13+$0x0] =	vst.idx.add.f32.msk $0xffff, v3  }
0x45: {  	v3 =	vld [tilespmem:s18+$0xFFFFFF10]  }
0x46: {  	[tilespmem:v2+s13+$0x0] =	vst.idx.add.f32.msk $0xffff, v9  }
0x47: {  	v2 =	vld [tilespmem:s18+$0xA0]  }
0x48: {  	v45 =	vld [tilespmem:s9+$0xFFFFFF10]  }
0x49: {  	v44 =	vld [tilespmem:s18+$0x10]  }
0x4a: {  	v43 =	vld [tilespmem:s9+$0xA0]  }
0x4b: {  	v47 =	vld [tilespmem:s9+$0x10]  }
0x4c: {  	[tilespmem:v4+s13+$0x0] =	vst.idx.add.f32.msk $0xffff, v46  }
0x4d: {  	[tilespmem:v3+s13+$0x0] =	vst.idx.add.f32.msk $0xffff, v45  }
0x4e: {  	v48 =	vld [tilespmem:s18+$0xFFFFFF20]  }
0x4f: {  	[tilespmem:v2+s13+$0x0] =	vst.idx.add.f32.msk $0xffff, v43  }
0x50: {  	v2 =	vld [tilespmem:s18+$0xB0]  }
0x51: {  	v50 =	vld [tilespmem:s9+$0xFFFFFF20]  }
0x52: {  	[tilespmem:v44+s13+$0x0] =	vst.idx.add.f32.msk $0xffff, v47  }
0x53: {  	v3 =	vld [tilespmem:s9+$0xB0]  }
0x54: {  	v49 =	vld [tilespmem:s18+$0xFFFFFFA0]  }
0x55: {  	v51 =	vld [tilespmem:s9+$0xFFFFFFA0]  }
0x56: {  	[tilespmem:v48+s13+$0x0] =	vst.idx.add.f32.msk $0xffff, v50  }
0x57: {  	v4 =	vld [tilespmem:s18+$0xFFFFFF30]  }
0x58: {  	[tilespmem:v2+s13+$0x0] =	vst.idx.add.f32.msk $0xffff, v3  }
0x59: {  	v3 =	vld [tilespmem:s18+$0x20]  }
0x5a: {  	v9 =	vld [tilespmem:s9+$0x20]  }
0x5b: {  	v55 =	vld [tilespmem:s9+$0xFFFFFF30]  }
0x5c: {  	v2 =	vld [tilespmem:s18+$0xC0]  }
0x5d: {  	[tilespmem:v49+s13+$0x0] =	vst.idx.add.f32.msk $0xffff, v51  }
0x5e: {  	v56 =	vld [tilespmem:s9+$0xFFFFFFB0]  }
0x5f: {  	v52 =	vld [tilespmem:s9+$0xC0]  }
0x60: {  	[tilespmem:v4+s13+$0x0] =	vst.idx.add.f32.msk $0xffff, v55  }
0x61: {  	[tilespmem:v3+s13+$0x0] =	vst.idx.add.f32.msk $0xffff, v9  }
0x62: {  	v3 =	vld [tilespmem:s18+$0xFFFFFFB0]  }
0x63: {  	v54 =	vld [tilespmem:s18+$0x30]  }
0x64: {  	[tilespmem:v2+s13+$0x0] =	vst.idx.add.f32.msk $0xffff, v52  }
0x65: {  	v2 =	vld [tilespmem:s18+$0xD0]  }
0x66: {  	v9 =	vld [tilespmem:s9+$0x30]  }
0x67: {  	v4 =	vld [tilespmem:s18+$0xFFFFFF40]  }
0x68: {  	v53 =	vld [tilespmem:s9+$0xD0]  }
0x69: {  	v7 =	vld [tilespmem:s9+$0xFFFFFF40]  }
0x6a: {  	[tilespmem:v3+s13+$0x0] =	vst.idx.add.f32.msk $0xffff, v56  }
0x6b: {  	[tilespmem:v54+s13+$0x0] =	vst.idx.add.f32.msk $0xffff, v9  }
0x6c: {  	v57 =	vld [tilespmem:s18+$0xFFFFFFC0]  }
0x6d: {  	[tilespmem:v2+s13+$0x0] =	vst.idx.add.f32.msk $0xffff, v53  }
0x6e: {  	v6 =	vld [tilespmem:s18+$0x40]  }
0x6f: {  	v2 =	vld [tilespmem:s18+$0xE0]  }
0x70: {  	v8 =	vld [tilespmem:s9+$0xFFFFFFC0]  }
0x71: {  	v9 =	vld [tilespmem:s9+$0x40]  }
0x72: {  	v3 =	vld [tilespmem:s9+$0xE0];
	_ =	sdelay $0x1  }
0x73: {  	[tilespmem:v4+s13+$0x0] =	vst.idx.add.f32.msk $0xffff, v7  }
0x74: {  	[tilespmem:v57+s13+$0x0] =	vst.idx.add.f32.msk $0xffff, v8  }
0x75: {  	[tilespmem:v6+s13+$0x0] =	vst.idx.add.f32.msk $0xffff, v9  }
0x76: {  	[tilespmem:v2+s13+$0x0] =	vst.idx.add.f32.msk $0xffff, v3  }
0x77: {  	v2 =	vld [tilespmem:s18+$0xFFFFFF50]  }
0x78: {  	v3 =	vld [tilespmem:s18+$0xFFFFFFD0]  }
0x79: {  	v58 =	vld [tilespmem:s18+$0x50]  }
0x7a: {  	v59 =	vld [tilespmem:s9+$0xFFFFFF50]  }
0x7b: {  	v60 =	vld [tilespmem:s9+$0xFFFFFFD0]  }
0x7c: {  	v61 =	vld [tilespmem:s9+$0x50]  }
0x7d: {  	v62 =	vld [tilespmem:s18+$0xF0]  }
0x7e: {  	v63 =	vld [tilespmem:s9+$0xF0]  }
0x7f: {  	[tilespmem:v2+s13+$0x0] =	vst.idx.add.f32.msk $0xffff, v59  }
0x80: {  	[tilespmem:v3+s13+$0x0] =	vst.idx.add.f32.msk $0xffff, v60  }
0x81: {  	[tilespmem:v58+s13+$0x0] =	vst.idx.add.f32.msk $0xffff, v61  }
0x82: {  	v2 =	vld [tilespmem:s18+$0xFFFFFF60]  }
0x83: {  	v3 =	vld [tilespmem:s18+$0xFFFFFFE0]  }
0x84: {  	v4 =	vld [tilespmem:s18+$0x60]  }
0x85: {  	v5 =	vld [tilespmem:s9+$0xFFFFFF60]  }
0x86: {  	v6 =	vld [tilespmem:s9+$0xFFFFFFE0]  }
0x87: {  	v7 =	vld [tilespmem:s9+$0x60];
	_ =	sdelay $0x1  }
0x88: {  	[tilespmem:v62+s13+$0x0] =	vst.idx.add.f32.msk $0xffff, v63  }
0x89: {  	[tilespmem:v2+s13+$0x0] =	vst.idx.add.f32.msk $0xffff, v5  }
0x8a: {  	[tilespmem:v3+s13+$0x0] =	vst.idx.add.f32.msk $0xffff, v6  }
0x8b: {  	s20 =	simm.s32 $0x0;
	[tilespmem:v4+s13+$0x0] =	vst.idx.add.f32.msk $0xffff, v7  }
0x8c: {  	s21 =	simm.s32 $0x1300;
	s22 =	smov.u32 s9;
	s19 =	smov.u32 s9;
	v2 =	vld [tilespmem:s18+$0xFFFFFF70]  }
.LBB2_9:
0x8d: {  	v3 =	vld [tilespmem:s21+$0x80];
	s20 =	sadd.s32 $0x4, s20  }
0x8e: {  	v4 =	vld [tilespmem:s21+$0xFFFFFF80];
	p1 =	slt.u32 s20, $0x14  }
0x8f: {  	s22 =	sadd.s32 $0x200, s22;
	v5 =	vld [tilespmem:s21+$0x0]  }
0x90: {  	v6 =	vld [tilespmem:s22+$0x80]  }
0x91: {  	v7 =	vld [tilespmem:s21+$0xFFFFFF00]  }
0x92: {  	v8 =	vld [tilespmem:s22+$0xFFFFFF00]  }
0x93: {  	v9 =	vld [tilespmem:s22+$0xFFFFFF80]  }
0x94: {  	v10 =	vld [tilespmem:s22+$0x0]  }
0x95: {  	[tilespmem:v3+s13+$0x0] =	vst.idx.add.f32.msk $0xffff, v6  }
0x96: {  	v6 =	vld [tilespmem:s21+$0x90]  }
0x97: {  	v3 =	vld [tilespmem:s18+$0xFFFFFFF0]  }
0x98: {  	[tilespmem:v4+s13+$0x0] =	vst.idx.add.f32.msk $0xffff, v9  }
0x99: {  	v4 =	vld [tilespmem:s22+$0x90]  }
0x9a: {  	[tilespmem:v7+s13+$0x0] =	vst.idx.add.f32.msk $0xffff, v8  }
0x9b: {  	[tilespmem:v5+s13+$0x0] =	vst.idx.add.f32.msk $0xffff, v10  }
0x9c: {  	v5 =	vld [tilespmem:s21+$0xFFFFFF10]  }
0x9d: {  	v7 =	vld [tilespmem:s21+$0xFFFFFF90]  }
0x9e: {  	[tilespmem:v6+s13+$0x0] =	vst.idx.add.f32.msk $0xffff, v4  }
0x9f: {  	v6 =	vld [tilespmem:s21+$0xA0]  }
0xa0: {  	v8 =	vld [tilespmem:s21+$0x10]  }
0xa1: {  	v9 =	vld [tilespmem:s22+$0xFFFFFF10]  }
0xa2: {  	v10 =	vld [tilespmem:s22+$0xA0]  }
0xa3: {  	v11 =	vld [tilespmem:s22+$0xFFFFFF90]  }
0xa4: {  	v12 =	vld [tilespmem:s22+$0x10]  }
0xa5: {  	v4 =	vld [tilespmem:s18+$0x70];
	s18 =	smov.u32 s21  }
0xa6: {  	[tilespmem:v5+s13+$0x0] =	vst.idx.add.f32.msk $0xffff, v9  }
0xa7: {  	[tilespmem:v6+s13+$0x0] =	vst.idx.add.f32.msk $0xffff, v10  }
0xa8: {  	v5 =	vld [tilespmem:s21+$0xB0]  }
0xa9: {  	[tilespmem:v7+s13+$0x0] =	vst.idx.add.f32.msk $0xffff, v11  }
0xaa: {  	[tilespmem:v8+s13+$0x0] =	vst.idx.add.f32.msk $0xffff, v12  }
0xab: {  	v6 =	vld [tilespmem:s22+$0xB0]  }
0xac: {  	v7 =	vld [tilespmem:s21+$0xFFFFFF20]  }
0xad: {  	v8 =	vld [tilespmem:s21+$0xFFFFFFA0]  }
0xae: {  	v9 =	vld [tilespmem:s21+$0x20]  }
0xaf: {  	v10 =	vld [tilespmem:s22+$0xFFFFFF20]  }
0xb0: {  	[tilespmem:v5+s13+$0x0] =	vst.idx.add.f32.msk $0xffff, v6  }
0xb1: {  	v5 =	vld [tilespmem:s21+$0xC0]  }
0xb2: {  	v6 =	vld [tilespmem:s22+$0xFFFFFFA0]  }
0xb3: {  	v11 =	vld [tilespmem:s22+$0x20]  }
0xb4: {  	v12 =	vld [tilespmem:s22+$0xC0]  }
0xb5: {  	[tilespmem:v7+s13+$0x0] =	vst.idx.add.f32.msk $0xffff, v10  }
0xb6: {  	v7 =	vld [tilespmem:s21+$0xFFFFFF30]  }
0xb7: {  	[tilespmem:v8+s13+$0x0] =	vst.idx.add.f32.msk $0xffff, v6  }
0xb8: {  	[tilespmem:v9+s13+$0x0] =	vst.idx.add.f32.msk $0xffff, v11  }
0xb9: {  	[tilespmem:v5+s13+$0x0] =	vst.idx.add.f32.msk $0xffff, v12  }
0xba: {  	v5 =	vld [tilespmem:s21+$0xD0]  }
0xbb: {  	v6 =	vld [tilespmem:s21+$0xFFFFFFB0]  }
0xbc: {  	v8 =	vld [tilespmem:s21+$0x30]  }
0xbd: {  	v9 =	vld [tilespmem:s22+$0xD0]  }
0xbe: {  	v10 =	vld [tilespmem:s22+$0xFFFFFF30]  }
0xbf: {  	v11 =	vld [tilespmem:s22+$0xFFFFFFB0]  }
0xc0: {  	v12 =	vld [tilespmem:s22+$0x30]  }
0xc1: {  	v13 =	vld [tilespmem:s19+$0xFFFFFF70]  }
0xc2: {  	[tilespmem:v5+s13+$0x0] =	vst.idx.add.f32.msk $0xffff, v9  }
0xc3: {  	v5 =	vld [tilespmem:s21+$0xE0]  }
0xc4: {  	[tilespmem:v7+s13+$0x0] =	vst.idx.add.f32.msk $0xffff, v10  }
0xc5: {  	[tilespmem:v6+s13+$0x0] =	vst.idx.add.f32.msk $0xffff, v11  }
0xc6: {  	v6 =	vld [tilespmem:s22+$0xE0]  }
0xc7: {  	[tilespmem:v8+s13+$0x0] =	vst.idx.add.f32.msk $0xffff, v12  }
0xc8: {  	v7 =	vld [tilespmem:s21+$0xFFFFFF40]  }
0xc9: {  	v8 =	vld [tilespmem:s21+$0xFFFFFFC0]  }
0xca: {  	v9 =	vld [tilespmem:s21+$0x40]  }
0xcb: {  	[tilespmem:v5+s13+$0x0] =	vst.idx.add.f32.msk $0xffff, v6  }
0xcc: {  	v5 =	vld [tilespmem:s21+$0xF0]  }
0xcd: {  	v6 =	vld [tilespmem:s22+$0xFFFFFF40]  }
0xce: {  	v10 =	vld [tilespmem:s22+$0xFFFFFFC0]  }
0xcf: {  	v11 =	vld [tilespmem:s22+$0xF0]  }
0xd0: {  	v12 =	vld [tilespmem:s22+$0x40]  }
0xd1: {  	v14 =	vld [tilespmem:s19+$0xFFFFFFF0]  }
0xd2: {  	[tilespmem:v7+s13+$0x0] =	vst.idx.add.f32.msk $0xffff, v6  }
0xd3: {  	[tilespmem:v8+s13+$0x0] =	vst.idx.add.f32.msk $0xffff, v10  }
0xd4: {  	[tilespmem:v5+s13+$0x0] =	vst.idx.add.f32.msk $0xffff, v11  }
0xd5: {  	[tilespmem:v9+s13+$0x0] =	vst.idx.add.f32.msk $0xffff, v12  }
0xd6: {  	v5 =	vld [tilespmem:s21+$0xFFFFFF50]  }
0xd7: {  	v6 =	vld [tilespmem:s21+$0xFFFFFFD0]  }
0xd8: {  	v7 =	vld [tilespmem:s21+$0x50]  }
0xd9: {  	v8 =	vld [tilespmem:s22+$0xFFFFFF50]  }
0xda: {  	v9 =	vld [tilespmem:s22+$0xFFFFFFD0]  }
0xdb: {  	v10 =	vld [tilespmem:s22+$0x50]  }
0xdc: {  	v11 =	vld [tilespmem:s19+$0x70];
	s19 =	smov.u32 s22  }
0xdd: {  	[tilespmem:v2+s13+$0x0] =	vst.idx.add.f32.msk $0xffff, v13  }
0xde: {  	[tilespmem:v5+s13+$0x0] =	vst.idx.add.f32.msk $0xffff, v8  }
0xdf: {  	[tilespmem:v6+s13+$0x0] =	vst.idx.add.f32.msk $0xffff, v9  }
0xe0: {  	[tilespmem:v7+s13+$0x0] =	vst.idx.add.f32.msk $0xffff, v10  }
0xe1: {  	v2 =	vld [tilespmem:s21+$0xFFFFFF60]  }
0xe2: {  	v5 =	vld [tilespmem:s21+$0xFFFFFFE0]  }
0xe3: {  	v6 =	vld [tilespmem:s21+$0x60]  }
0xe4: {  	v7 =	vld [tilespmem:s22+$0xFFFFFF60]  }
0xe5: {  	v8 =	vld [tilespmem:s22+$0xFFFFFFE0]  }
0xe6: {  	v9 =	vld [tilespmem:s22+$0x60]  }
0xe7: {  	[tilespmem:v3+s13+$0x0] =	vst.idx.add.f32.msk $0xffff, v14  }
.Ltmp4:
0xe8: {  	[tilespmem:v4+s13+$0x0] =	vst.idx.add.f32.msk $0xffff, v11;
	(pc) =	sbr.rel @p1 .LBB2_9-.Ltmp4, $4  }
0xe9: {  	[tilespmem:v2+s13+$0x0] =	vst.idx.add.f32.msk $0xffff, v7  }
0xea: {  	[tilespmem:v5+s13+$0x0] =	vst.idx.add.f32.msk $0xffff, v8  }
0xeb: {  	[tilespmem:v6+s13+$0x0] =	vst.idx.add.f32.msk $0xffff, v9  }
0xec: {  	s21 =	sadd.s32 $0x200, s21;
	v2 =	vld [tilespmem:s18+$0xFFFFFF70]  }
0xed: {  	_ = 	snop  }
0xee: {  	v3 =	vld [tilespmem:s18+$0xFFFFFFF0]  }
0xef: {  	v4 =	vld [tilespmem:s18+$0x70]  }
0xf0: {  	v5 =	vld [tilespmem:s19+$0xFFFFFF70]  }
0xf1: {  	v6 =	vld [tilespmem:s19+$0xFFFFFFF0]  }
0xf2: {  	v7 =	vld [tilespmem:s19+$0x70];
	_ =	sdelay $0x2  }
0xf3: {  	[tilespmem:v2+s13+$0x0] =	vst.idx.add.f32.msk $0xffff, v5  }
0xf4: {  	[tilespmem:v3+s13+$0x0] =	vst.idx.add.f32.msk $0xffff, v6  }
0xf5: {  	[tilespmem:v4+s13+$0x0] =	vst.idx.add.f32.msk $0xffff, v7  }
0xf6: {  	v2 =	vld [tilespmem:$0x1C00];
	_ =	sdelay $0x2  }
0xf7: {  	v3 =	vld [tilespmem:s6+$0xC00];
	_ =	sdelay $0x4  }
0xf8: {  	[tilespmem:v2+s13+$0x0] =	vst.idx.add.f32.msk $0xffff, v3  }
0xf9: {  	v2 =	vld [tilespmem:$0x1C10];
	_ =	sdelay $0x2  }
0xfa: {  	v3 =	vld [tilespmem:s6+$0xC10];
	_ =	sdelay $0x4  }
0xfb: {  	[tilespmem:v2+s13+$0x0] =	vst.idx.add.f32.msk $0xffff, v3  }
0xfc: {  	v2 =	vld [tilespmem:$0x1C20];
	_ =	sdelay $0x2  }
0xfd: {  	v3 =	vld [tilespmem:s6+$0xC20];
	_ =	sdelay $0x4  }
0xfe: {  	[tilespmem:v2+s13+$0x0] =	vst.idx.add.f32.msk $0xffff, v3  }
0xff: {  	v2 =	vld [tilespmem:$0x1C30];
	_ =	sdelay $0x2  }
0x100: {  	v3 =	vld [tilespmem:s6+$0xC30];
	_ =	sdelay $0x4  }
0x101: {  	[tilespmem:v2+s13+$0x0] =	vst.idx.add.f32.msk $0xffff, v3  }
0x102: {  	v2 =	vld [tilespmem:$0x1C40];
	_ =	sdelay $0x2  }
0x103: {  	v3 =	vld [tilespmem:s6+$0xC40];
	_ =	sdelay $0x4  }
0x104: {  	[tilespmem:v2+s13+$0x0] =	vst.idx.add.f32.msk $0xffff, v3  }
0x105: {  	v2 =	vld [tilespmem:$0x1C50];
	_ =	sdelay $0x2  }
0x106: {  	v3 =	vld [tilespmem:s6+$0xC50];
	_ =	sdelay $0x4  }
0x107: {  	[tilespmem:v2+s13+$0x0] =	vst.idx.add.f32.msk $0xffff, v3  }
0x108: {  	v2 =	vld [tilespmem:$0x1C60];
	_ =	sdelay $0x2  }
0x109: {  	v3 =	vld [tilespmem:s6+$0xC60];
	_ =	sdelay $0x4  }
0x10a: {  	[tilespmem:v2+s13+$0x0] =	vst.idx.add.f32.msk $0xffff, v3  }
0x10b: {  	v2 =	vld [tilespmem:$0x1C70];
	_ =	sdelay $0x2  }
0x10c: {  	v3 =	vld [tilespmem:s6+$0xC70];
	_ =	sdelay $0x2  }
0x10d: {  	s17 =	sadd.s32 $0x1, s17  }
0x10e: {  	p1 =	sne.s32 s17, s8  }
.Ltmp5:
0x10f: {  	[tilespmem:v2+s13+$0x0] =	vst.idx.add.f32.msk $0xffff, v3;
	(pc) =	sbr.rel @p1 .LBB2_1-.Ltmp5, $4  }
0x110: {  	[hbm4b:s7+s14] =	stream.strided.scatter [tilespmem:s13], [sflag:$0x3], $0x400, s15, s14, $0x38;
	[tilespmem:$0x2080] =	vst v63  }
0x111: {  	_ =	swait.ge [sflag:s16], $0x400  }
0x112: {  	[sflag:s16] =	ssyncset.done $0x0  }
0x113: {  	[sflag:s16] =	ssyncadd.s32 $0xFFFFFC00  }
0x114: {  	_ =	sfence.sel $0x180000  }
0x115: {  	[bflag:$0x0] =	sbarrier.arrive $0xFFFF  }
0x116: {  	p0 =	sne.s32 s0, $0x0;
	_ =	strace $0x90000047  }
0x117: {  	s0 =	sadd.s32 @!p0 $0x100000, s1;
	[bflag:$0x2] =	sbarrier.arrive $0xFFFF  }
0x118: {  	[sflag:s0] =	ssyncadd.tile.s32 @!p0 $0x1;
	_ =	shalt  }
.Lfunc_end2:
_tile_overlayer_lowered:
.L_overlay_start_2:
0x119: {  	(tag) =	ssettag $0x2  }
0x11a: {  	s0 =	rddreg [dreg:$0x0];
	s2 =	stileid.u32  }
0x11b: {  	s1 =	rddreg [dreg:$0x1];
	p0 =	sne.s32 s2, $0x0  }
0x11c: {  	s3 =	rddreg [dreg:$0x2];
	[bflag:$0x3] =	sbarrier.arrive $0xFFFF;
	s2 =	simm.s32 @!p0 $0x1C03  }
0x11d: {  	[timem:s3], [sflag:s2] =	dma.local @!p0 [hbm:s0], s1  }
0x11e: {  	s0 =	simm.s32 @!p0 $0x3  }
0x11f: {  	_ =	swait.ge @!p0 [sflag:s0], s1  }
0x120: {  	s1 =	ssub.s32 @!p0 $0x0, s1;
	[sflag:s0] =	ssyncset.done @!p0 $0x0  }
0x121: {  	[sflag:s0] =	ssyncadd.s32 @!p0 s1  }
0x122: {  	[bflag:$0x3] =	sbarrier.arrive $0xFFFF  }
0x123: {  	_ =	shalt  }

</sc_bundles>
